<compile_context>
chip_gen: v7x
topology: tpu7x:2x2x1
jax: 0.10.2.dev20260603
libtpu: 0.0.44.dev20260713+nightly
codegen_flags: <defaults>
</compile_context>

<pallas_src>
import functools

import jax
import jax.numpy as jnp
from jax import lax
from jax.experimental import pallas as pl
from jax.experimental.pallas import tpu as pltpu
from jax.experimental.pallas import tpu_sc as plsc

_N = 5
_L = 16

_MESH = plsc.VectorSubcoreMesh(core_axis_name="c", subcore_axis_name="s",
                               num_cores=1, num_subcores=1)


@functools.partial(
    pl.kernel,
    out_type=jax.ShapeDtypeStruct((_N, _N), jnp.float32),
    mesh=_MESH,
    scratch_types=[
        pltpu.VMEM((_N, _L), jnp.float32),
        pltpu.VMEM((_N, _L), jnp.float32),
        pltpu.VMEM((_L,), jnp.int32),
        pltpu.SemaphoreType.DMA,
    ],
    compiler_params=pltpu.CompilerParams(use_tc_tiling_on_sc=False),
)
def _sc_index_copy(y_hbm, x_hbm, idx_hbm, out_hbm, y_v, out_v, idx_v, sem):
    c = lax.axis_index("c")
    s = lax.axis_index("s")

    @pl.when(jnp.logical_and(c == 0, s == 0))
    def _():
        cp_x = pltpu.async_copy(x_hbm, out_v.at[:, pl.ds(0, _N)], sem)
        cp_y = pltpu.async_copy(y_hbm, y_v.at[:, pl.ds(0, _N)], sem)
        cp_i = pltpu.async_copy(idx_hbm, idx_v.at[pl.ds(0, _N)], sem)
        cp_x.wait()
        cp_y.wait()
        cp_i.wait()
        idxvec = idx_v[...]
        y_rows = [y_v[i, :] for i in range(_N)]
        for r in range(_N):
            acc = out_v[r, :]
            for i in range(_N):
                acc = jnp.where(idxvec[i] == r, y_rows[i], acc)
            out_v[r, :] = acc
        pltpu.sync_copy(out_v.at[:, pl.ds(0, _N)], out_hbm)


def kernel(y, x, indices):
    return _sc_index_copy(y, x, indices)

# --- scband reference (transcript-rebuilt; emitter-appended) ---
"""Pipeline reference for scband-my-model-61933428411998 (READ-ONLY COPY).

The authoritative reference and input builder live on the scoring server;
editing this copy changes nothing except your own understanding.
"""

import jax, jax.numpy as jnp
import numpy as np


def setup_inputs(seed: int = 0) -> dict:
    key = jax.random.key(seed)
    y = jax.random.normal(key, (5, 5), dtype=jnp.float32)
    # learned parameter x (initialized to zeros, as in the torch module)
    x = jnp.zeros((5, 5), dtype=jnp.float32)
    # registered buffer: all indices point to row 0
    indices = jnp.zeros((5,), dtype=jnp.int32)
    return {"y": y, "x": x, "indices": indices}


def reference(y, x, indices):
    # torch: self.x.index_copy(0, self.indices, y)
    # scatter-overwrite along axis 0; duplicate indices -> last write wins (undefined order, same as torch)
    out = x.at[indices].set(y)
    return out

if __name__ == "__main__":
    import jax
    _d = setup_inputs()
    print(jax.jit(kernel)(*tuple(_d.values())))

</pallas_src>

<mosaic_0001>
#map = affine_map<(d0, d1) -> (0, 0)>
#map1 = affine_map<(d0, d1) -> (0)>
module attributes {stable_mosaic.version = 14 : i64} {
  func.func @_sc_index_copy(%arg0: i32, %arg1: i32, %arg2: memref<5x5xf32, #tpu.memory_space<hbm>>, %arg3: memref<5x5xf32, #tpu.memory_space<hbm>>, %arg4: memref<5xi32, #tpu.memory_space<hbm>>, %arg5: memref<5x5xf32, #tpu.memory_space<hbm>>, %arg6: memref<5x16xf32, #tpu.memory_space<vmem>>, %arg7: memref<5x16xf32, #tpu.memory_space<vmem>>, %arg8: memref<16xi32, #tpu.memory_space<vmem>>, %arg9: memref<!tpu.dma_semaphore, #tpu.memory_space<semaphore_mem>>) attributes {dimension_semantics = [#tpu.dimension_semantics<core_parallel>, #tpu.dimension_semantics<subcore_parallel>], iteration_bounds = array<i64: 1, 1>, scalar_prefetch = 0 : i64, scratch_operands = 4 : i64, tpu.core_type = #tpu.core_type<sc_vector_subcore>, window_params = [{transform_indices = #map}, {transform_indices = #map}, {transform_indices = #map1}, {transform_indices = #map}]} {
    %eq3A = arith.constant 0 : i32
    %eq3A_0 = arith.cmpi eq, %arg0, %eq3A : i32
    %eq3A_1 = arith.constant 0 : i32
    %eq3A_2 = arith.cmpi eq, %arg1, %eq3A_1 : i32
    %and3A = arith.andi %eq3A_0, %eq3A_2 : i1
    %convert_element_type3A = arith.extui %and3A : i1 to i32
    %cond3A = arith.constant 0 : i32
    %cond3A_3 = arith.cmpi ne, %convert_element_type3A, %cond3A : i32
    scf.if %cond3A_3 {
      %dma_start3A = arith.constant 0 : i32
      %dma_start3A_4 = arith.constant 0 : i32
      %dma_start3A_5 = tpu.memref_slice %arg7[%dma_start3A, %dma_start3A_4] : memref<5x16xf32, #tpu.memory_space<vmem>> -> memref<5x5xf32, #tpu.memory_space<vmem>>
      %dma_start3A_6 = arith.constant 0 : i32
      %dma_start3A_7 = arith.constant 0 : i32
      %dma_start3A_8 = tpu.memref_slice %arg7[%dma_start3A_6, %dma_start3A_7] : memref<5x16xf32, #tpu.memory_space<vmem>> -> memref<5x5xf32, #tpu.memory_space<vmem>>
      tpu.enqueue_dma source(%arg3 : memref<5x5xf32, #tpu.memory_space<hbm>>) target(%dma_start3A_8 : memref<5x5xf32, #tpu.memory_space<vmem>>) target_semaphore(%arg9 : memref<!tpu.dma_semaphore, #tpu.memory_space<semaphore_mem>>)
      %dma_start3A_9 = arith.constant 0 : i32
      %dma_start3A_10 = arith.constant 0 : i32
      %dma_start3A_11 = tpu.memref_slice %arg6[%dma_start3A_9, %dma_start3A_10] : memref<5x16xf32, #tpu.memory_space<vmem>> -> memref<5x5xf32, #tpu.memory_space<vmem>>
      %dma_start3A_12 = arith.constant 0 : i32
      %dma_start3A_13 = arith.constant 0 : i32
      %dma_start3A_14 = tpu.memref_slice %arg6[%dma_start3A_12, %dma_start3A_13] : memref<5x16xf32, #tpu.memory_space<vmem>> -> memref<5x5xf32, #tpu.memory_space<vmem>>
      tpu.enqueue_dma source(%arg2 : memref<5x5xf32, #tpu.memory_space<hbm>>) target(%dma_start3A_14 : memref<5x5xf32, #tpu.memory_space<vmem>>) target_semaphore(%arg9 : memref<!tpu.dma_semaphore, #tpu.memory_space<semaphore_mem>>)
      %dma_start3A_15 = arith.constant 0 : i32
      %dma_start3A_16 = tpu.memref_slice %arg8[%dma_start3A_15] : memref<16xi32, #tpu.memory_space<vmem>> -> memref<5xi32, #tpu.memory_space<vmem>>
      %dma_start3A_17 = arith.constant 0 : i32
      %dma_start3A_18 = tpu.memref_slice %arg8[%dma_start3A_17] : memref<16xi32, #tpu.memory_space<vmem>> -> memref<5xi32, #tpu.memory_space<vmem>>
      tpu.enqueue_dma source(%arg4 : memref<5xi32, #tpu.memory_space<hbm>>) target(%dma_start3A_18 : memref<5xi32, #tpu.memory_space<vmem>>) target_semaphore(%arg9 : memref<!tpu.dma_semaphore, #tpu.memory_space<semaphore_mem>>)
      %dma_wait3A = arith.constant 0 : i32
      %dma_wait3A_19 = arith.constant 0 : i32
      %dma_wait3A_20 = tpu.memref_slice %arg7[%dma_wait3A, %dma_wait3A_19] : memref<5x16xf32, #tpu.memory_space<vmem>> -> memref<5x5xf32, #tpu.memory_space<vmem>>
      %dma_wait3A_21 = arith.constant 0 : i32
      %dma_wait3A_22 = arith.constant 0 : i32
      %dma_wait3A_23 = tpu.memref_slice %arg7[%dma_wait3A_21, %dma_wait3A_22] : memref<5x16xf32, #tpu.memory_space<vmem>> -> memref<5x5xf32, #tpu.memory_space<vmem>>
      tpu.wait_dma2 semaphore(%arg9 : memref<!tpu.dma_semaphore, #tpu.memory_space<semaphore_mem>>) src(%arg3 : memref<5x5xf32, #tpu.memory_space<hbm>>) dst(%dma_wait3A_23 : memref<5x5xf32, #tpu.memory_space<vmem>>)
      %dma_wait3A_24 = arith.constant 0 : i32
      %dma_wait3A_25 = arith.constant 0 : i32
      %dma_wait3A_26 = tpu.memref_slice %arg6[%dma_wait3A_24, %dma_wait3A_25] : memref<5x16xf32, #tpu.memory_space<vmem>> -> memref<5x5xf32, #tpu.memory_space<vmem>>
      %dma_wait3A_27 = arith.constant 0 : i32
      %dma_wait3A_28 = arith.constant 0 : i32
      %dma_wait3A_29 = tpu.memref_slice %arg6[%dma_wait3A_27, %dma_wait3A_28] : memref<5x16xf32, #tpu.memory_space<vmem>> -> memref<5x5xf32, #tpu.memory_space<vmem>>
      tpu.wait_dma2 semaphore(%arg9 : memref<!tpu.dma_semaphore, #tpu.memory_space<semaphore_mem>>) src(%arg2 : memref<5x5xf32, #tpu.memory_space<hbm>>) dst(%dma_wait3A_29 : memref<5x5xf32, #tpu.memory_space<vmem>>)
      %dma_wait3A_30 = arith.constant 0 : i32
      %dma_wait3A_31 = tpu.memref_slice %arg8[%dma_wait3A_30] : memref<16xi32, #tpu.memory_space<vmem>> -> memref<5xi32, #tpu.memory_space<vmem>>
      %dma_wait3A_32 = arith.constant 0 : i32
      %dma_wait3A_33 = tpu.memref_slice %arg8[%dma_wait3A_32] : memref<16xi32, #tpu.memory_space<vmem>> -> memref<5xi32, #tpu.memory_space<vmem>>
      tpu.wait_dma2 semaphore(%arg9 : memref<!tpu.dma_semaphore, #tpu.memory_space<semaphore_mem>>) src(%arg4 : memref<5xi32, #tpu.memory_space<hbm>>) dst(%dma_wait3A_33 : memref<5xi32, #tpu.memory_space<vmem>>)
      %get3A = arith.constant 0 : index
      %get3A_34 = tpu.vector_load %arg8[%get3A] {strides = array<i32>} : memref<16xi32, #tpu.memory_space<vmem>>, vector<16xi32>,
      %get3A_35 = vector.shape_cast %get3A_34 : vector<16xi32> to vector<16xi32>
      %get3A_36 = arith.constant 0 : i32
      %get3A_37 = arith.index_cast %get3A_36 : i32 to index
      %get3A_38 = arith.constant 0 : index
      %get3A_39 = tpu.vector_load %arg6[%get3A_37, %get3A_38] {strides = array<i32>} : memref<5x16xf32, #tpu.memory_space<vmem>>, vector<1x16xf32>,
      %get3A_40 = vector.shape_cast %get3A_39 : vector<1x16xf32> to vector<16xf32>
      %get3A_41 = arith.constant 1 : i32
      %get3A_42 = arith.index_cast %get3A_41 : i32 to index
      %get3A_43 = arith.constant 0 : index
      %get3A_44 = tpu.vector_load %arg6[%get3A_42, %get3A_43] {strides = array<i32>} : memref<5x16xf32, #tpu.memory_space<vmem>>, vector<1x16xf32>,
      %get3A_45 = vector.shape_cast %get3A_44 : vector<1x16xf32> to vector<16xf32>
      %get3A_46 = arith.constant 2 : i32
      %get3A_47 = arith.index_cast %get3A_46 : i32 to index
      %get3A_48 = arith.constant 0 : index
      %get3A_49 = tpu.vector_load %arg6[%get3A_47, %get3A_48] {strides = array<i32>} : memref<5x16xf32, #tpu.memory_space<vmem>>, vector<1x16xf32>,
      %get3A_50 = vector.shape_cast %get3A_49 : vector<1x16xf32> to vector<16xf32>
      %get3A_51 = arith.constant 3 : i32
      %get3A_52 = arith.index_cast %get3A_51 : i32 to index
      %get3A_53 = arith.constant 0 : index
      %get3A_54 = tpu.vector_load %arg6[%get3A_52, %get3A_53] {strides = array<i32>} : memref<5x16xf32, #tpu.memory_space<vmem>>, vector<1x16xf32>,
      %get3A_55 = vector.shape_cast %get3A_54 : vector<1x16xf32> to vector<16xf32>
      %get3A_56 = arith.constant 4 : i32
      %get3A_57 = arith.index_cast %get3A_56 : i32 to index
      %get3A_58 = arith.constant 0 : index
      %get3A_59 = tpu.vector_load %arg6[%get3A_57, %get3A_58] {strides = array<i32>} : memref<5x16xf32, #tpu.memory_space<vmem>>, vector<1x16xf32>,
      %get3A_60 = vector.shape_cast %get3A_59 : vector<1x16xf32> to vector<16xf32>
      %get3A_61 = arith.constant 0 : i32
      %get3A_62 = arith.index_cast %get3A_61 : i32 to index
      %get3A_63 = arith.constant 0 : index
      %get3A_64 = tpu.vector_load %arg7[%get3A_62, %get3A_63] {strides = array<i32>} : memref<5x16xf32, #tpu.memory_space<vmem>>, vector<1x16xf32>,
      %get3A_65 = vector.shape_cast %get3A_64 : vector<1x16xf32> to vector<16xf32>
      %slice3A = vector.extract_strided_slice %get3A_35 {offsets = [0], sizes = [1], strides = [1]} : vector<16xi32> to vector<1xi32>
      %squeeze3A = vector.extract %slice3A[0] : i32 from vector<1xi32>
      %eq3A_66 = arith.constant 0 : i32
      %eq3A_67 = arith.cmpi eq, %squeeze3A, %eq3A_66 : i32
      %select_n3A = arith.select %eq3A_67, %get3A_40, %get3A_65 : vector<16xf32>
      %slice3A_68 = vector.extract_strided_slice %get3A_35 {offsets = [1], sizes = [1], strides = [1]} : vector<16xi32> to vector<1xi32>
      %squeeze3A_69 = vector.extract %slice3A_68[0] : i32 from vector<1xi32>
      %eq3A_70 = arith.constant 0 : i32
      %eq3A_71 = arith.cmpi eq, %squeeze3A_69, %eq3A_70 : i32
      %select_n3A_72 = arith.select %eq3A_71, %get3A_45, %select_n3A : vector<16xf32>
      %slice3A_73 = vector.extract_strided_slice %get3A_35 {offsets = [2], sizes = [1], strides = [1]} : vector<16xi32> to vector<1xi32>
      %squeeze3A_74 = vector.extract %slice3A_73[0] : i32 from vector<1xi32>
      %eq3A_75 = arith.constant 0 : i32
      %eq3A_76 = arith.cmpi eq, %squeeze3A_74, %eq3A_75 : i32
      %select_n3A_77 = arith.select %eq3A_76, %get3A_50, %select_n3A_72 : vector<16xf32>
      %slice3A_78 = vector.extract_strided_slice %get3A_35 {offsets = [3], sizes = [1], strides = [1]} : vector<16xi32> to vector<1xi32>
      %squeeze3A_79 = vector.extract %slice3A_78[0] : i32 from vector<1xi32>
      %eq3A_80 = arith.constant 0 : i32
      %eq3A_81 = arith.cmpi eq, %squeeze3A_79, %eq3A_80 : i32
      %select_n3A_82 = arith.select %eq3A_81, %get3A_55, %select_n3A_77 : vector<16xf32>
      %slice3A_83 = vector.extract_strided_slice %get3A_35 {offsets = [4], sizes = [1], strides = [1]} : vector<16xi32> to vector<1xi32>
      %squeeze3A_84 = vector.extract %slice3A_83[0] : i32 from vector<1xi32>
      %eq3A_85 = arith.constant 0 : i32
      %eq3A_86 = arith.cmpi eq, %squeeze3A_84, %eq3A_85 : i32
      %select_n3A_87 = arith.select %eq3A_86, %get3A_60, %select_n3A_82 : vector<16xf32>
      %swap3A = arith.constant 0 : i32
      %swap3A_88 = arith.index_cast %swap3A : i32 to index
      %swap3A_89 = arith.constant 0 : index
      %swap3A_90 = tpu.vector_load %arg7[%swap3A_88, %swap3A_89] {strides = array<i32>} : memref<5x16xf32, #tpu.memory_space<vmem>>, vector<1x16xf32>,
      %swap3A_91 = vector.shape_cast %swap3A_90 : vector<1x16xf32> to vector<16xf32>
      %swap3A_92 = vector.shape_cast %select_n3A_87 : vector<16xf32> to vector<1x16xf32>
      tpu.vector_store %arg7[%swap3A_88, %swap3A_89], %swap3A_92 {strides = array<i32>} : memref<5x16xf32, #tpu.memory_space<vmem>>, vector<1x16xf32>,
      %get3A_93 = arith.constant 1 : i32
      %get3A_94 = arith.index_cast %get3A_93 : i32 to index
      %get3A_95 = arith.constant 0 : index
      %get3A_96 = tpu.vector_load %arg7[%get3A_94, %get3A_95] {strides = array<i32>} : memref<5x16xf32, #tpu.memory_space<vmem>>, vector<1x16xf32>,
      %get3A_97 = vector.shape_cast %get3A_96 : vector<1x16xf32> to vector<16xf32>
      %slice3A_98 = vector.extract_strided_slice %get3A_35 {offsets = [0], sizes = [1], strides = [1]} : vector<16xi32> to vector<1xi32>
      %squeeze3A_99 = vector.extract %slice3A_98[0] : i32 from vector<1xi32>
      %eq3A_100 = arith.constant 1 : i32
      %eq3A_101 = arith.cmpi eq, %squeeze3A_99, %eq3A_100 : i32
      %select_n3A_102 = arith.select %eq3A_101, %get3A_40, %get3A_97 : vector<16xf32>
      %slice3A_103 = vector.extract_strided_slice %get3A_35 {offsets = [1], sizes = [1], strides = [1]} : vector<16xi32> to vector<1xi32>
      %squeeze3A_104 = vector.extract %slice3A_103[0] : i32 from vector<1xi32>
      %eq3A_105 = arith.constant 1 : i32
      %eq3A_106 = arith.cmpi eq, %squeeze3A_104, %eq3A_105 : i32
      %select_n3A_107 = arith.select %eq3A_106, %get3A_45, %select_n3A_102 : vector<16xf32>
      %slice3A_108 = vector.extract_strided_slice %get3A_35 {offsets = [2], sizes = [1], strides = [1]} : vector<16xi32> to vector<1xi32>
      %squeeze3A_109 = vector.extract %slice3A_108[0] : i32 from vector<1xi32>
      %eq3A_110 = arith.constant 1 : i32
      %eq3A_111 = arith.cmpi eq, %squeeze3A_109, %eq3A_110 : i32
      %select_n3A_112 = arith.select %eq3A_111, %get3A_50, %select_n3A_107 : vector<16xf32>
      %slice3A_113 = vector.extract_strided_slice %get3A_35 {offsets = [3], sizes = [1], strides = [1]} : vector<16xi32> to vector<1xi32>
      %squeeze3A_114 = vector.extract %slice3A_113[0] : i32 from vector<1xi32>
      %eq3A_115 = arith.constant 1 : i32
      %eq3A_116 = arith.cmpi eq, %squeeze3A_114, %eq3A_115 : i32
      %select_n3A_117 = arith.select %eq3A_116, %get3A_55, %select_n3A_112 : vector<16xf32>
      %slice3A_118 = vector.extract_strided_slice %get3A_35 {offsets = [4], sizes = [1], strides = [1]} : vector<16xi32> to vector<1xi32>
      %squeeze3A_119 = vector.extract %slice3A_118[0] : i32 from vector<1xi32>
      %eq3A_120 = arith.constant 1 : i32
      %eq3A_121 = arith.cmpi eq, %squeeze3A_119, %eq3A_120 : i32
      %select_n3A_122 = arith.select %eq3A_121, %get3A_60, %select_n3A_117 : vector<16xf32>
      %swap3A_123 = arith.constant 1 : i32
      %swap3A_124 = arith.index_cast %swap3A_123 : i32 to index
      %swap3A_125 = arith.constant 0 : index
      %swap3A_126 = tpu.vector_load %arg7[%swap3A_124, %swap3A_125] {strides = array<i32>} : memref<5x16xf32, #tpu.memory_space<vmem>>, vector<1x16xf32>,
      %swap3A_127 = vector.shape_cast %swap3A_126 : vector<1x16xf32> to vector<16xf32>
      %swap3A_128 = vector.shape_cast %select_n3A_122 : vector<16xf32> to vector<1x16xf32>
      tpu.vector_store %arg7[%swap3A_124, %swap3A_125], %swap3A_128 {strides = array<i32>} : memref<5x16xf32, #tpu.memory_space<vmem>>, vector<1x16xf32>,
      %get3A_129 = arith.constant 2 : i32
      %get3A_130 = arith.index_cast %get3A_129 : i32 to index
      %get3A_131 = arith.constant 0 : index
      %get3A_132 = tpu.vector_load %arg7[%get3A_130, %get3A_131] {strides = array<i32>} : memref<5x16xf32, #tpu.memory_space<vmem>>, vector<1x16xf32>,
      %get3A_133 = vector.shape_cast %get3A_132 : vector<1x16xf32> to vector<16xf32>
      %slice3A_134 = vector.extract_strided_slice %get3A_35 {offsets = [0], sizes = [1], strides = [1]} : vector<16xi32> to vector<1xi32>
      %squeeze3A_135 = vector.extract %slice3A_134[0] : i32 from vector<1xi32>
      %eq3A_136 = arith.constant 2 : i32
      %eq3A_137 = arith.cmpi eq, %squeeze3A_135, %eq3A_136 : i32
      %select_n3A_138 = arith.select %eq3A_137, %get3A_40, %get3A_133 : vector<16xf32>
      %slice3A_139 = vector.extract_strided_slice %get3A_35 {offsets = [1], sizes = [1], strides = [1]} : vector<16xi32> to vector<1xi32>
      %squeeze3A_140 = vector.extract %slice3A_139[0] : i32 from vector<1xi32>
      %eq3A_141 = arith.constant 2 : i32
      %eq3A_142 = arith.cmpi eq, %squeeze3A_140, %eq3A_141 : i32
      %select_n3A_143 = arith.select %eq3A_142, %get3A_45, %select_n3A_138 : vector<16xf32>
      %slice3A_144 = vector.extract_strided_slice %get3A_35 {offsets = [2], sizes = [1], strides = [1]} : vector<16xi32> to vector<1xi32>
      %squeeze3A_145 = vector.extract %slice3A_144[0] : i32 from vector<1xi32>
      %eq3A_146 = arith.constant 2 : i32
      %eq3A_147 = arith.cmpi eq, %squeeze3A_145, %eq3A_146 : i32
      %select_n3A_148 = arith.select %eq3A_147, %get3A_50, %select_n3A_143 : vector<16xf32>
      %slice3A_149 = vector.extract_strided_slice %get3A_35 {offsets = [3], sizes = [1], strides = [1]} : vector<16xi32> to vector<1xi32>
      %squeeze3A_150 = vector.extract %slice3A_149[0] : i32 from vector<1xi32>
      %eq3A_151 = arith.constant 2 : i32
      %eq3A_152 = arith.cmpi eq, %squeeze3A_150, %eq3A_151 : i32
      %select_n3A_153 = arith.select %eq3A_152, %get3A_55, %select_n3A_148 : vector<16xf32>
      %slice3A_154 = vector.extract_strided_slice %get3A_35 {offsets = [4], sizes = [1], strides = [1]} : vector<16xi32> to vector<1xi32>
      %squeeze3A_155 = vector.extract %slice3A_154[0] : i32 from vector<1xi32>
      %eq3A_156 = arith.constant 2 : i32
      %eq3A_157 = arith.cmpi eq, %squeeze3A_155, %eq3A_156 : i32
      %select_n3A_158 = arith.select %eq3A_157, %get3A_60, %select_n3A_153 : vector<16xf32>
      %swap3A_159 = arith.constant 2 : i32
      %swap3A_160 = arith.index_cast %swap3A_159 : i32 to index
      %swap3A_161 = arith.constant 0 : index
      %swap3A_162 = tpu.vector_load %arg7[%swap3A_160, %swap3A_161] {strides = array<i32>} : memref<5x16xf32, #tpu.memory_space<vmem>>, vector<1x16xf32>,
      %swap3A_163 = vector.shape_cast %swap3A_162 : vector<1x16xf32> to vector<16xf32>
      %swap3A_164 = vector.shape_cast %select_n3A_158 : vector<16xf32> to vector<1x16xf32>
      tpu.vector_store %arg7[%swap3A_160, %swap3A_161], %swap3A_164 {strides = array<i32>} : memref<5x16xf32, #tpu.memory_space<vmem>>, vector<1x16xf32>,
      %get3A_165 = arith.constant 3 : i32
      %get3A_166 = arith.index_cast %get3A_165 : i32 to index
      %get3A_167 = arith.constant 0 : index
      %get3A_168 = tpu.vector_load %arg7[%get3A_166, %get3A_167] {strides = array<i32>} : memref<5x16xf32, #tpu.memory_space<vmem>>, vector<1x16xf32>,
      %get3A_169 = vector.shape_cast %get3A_168 : vector<1x16xf32> to vector<16xf32>
      %slice3A_170 = vector.extract_strided_slice %get3A_35 {offsets = [0], sizes = [1], strides = [1]} : vector<16xi32> to vector<1xi32>
      %squeeze3A_171 = vector.extract %slice3A_170[0] : i32 from vector<1xi32>
      %eq3A_172 = arith.constant 3 : i32
      %eq3A_173 = arith.cmpi eq, %squeeze3A_171, %eq3A_172 : i32
      %select_n3A_174 = arith.select %eq3A_173, %get3A_40, %get3A_169 : vector<16xf32>
      %slice3A_175 = vector.extract_strided_slice %get3A_35 {offsets = [1], sizes = [1], strides = [1]} : vector<16xi32> to vector<1xi32>
      %squeeze3A_176 = vector.extract %slice3A_175[0] : i32 from vector<1xi32>
      %eq3A_177 = arith.constant 3 : i32
      %eq3A_178 = arith.cmpi eq, %squeeze3A_176, %eq3A_177 : i32
      %select_n3A_179 = arith.select %eq3A_178, %get3A_45, %select_n3A_174 : vector<16xf32>
      %slice3A_180 = vector.extract_strided_slice %get3A_35 {offsets = [2], sizes = [1], strides = [1]} : vector<16xi32> to vector<1xi32>
      %squeeze3A_181 = vector.extract %slice3A_180[0] : i32 from vector<1xi32>
      %eq3A_182 = arith.constant 3 : i32
      %eq3A_183 = arith.cmpi eq, %squeeze3A_181, %eq3A_182 : i32
      %select_n3A_184 = arith.select %eq3A_183, %get3A_50, %select_n3A_179 : vector<16xf32>
      %slice3A_185 = vector.extract_strided_slice %get3A_35 {offsets = [3], sizes = [1], strides = [1]} : vector<16xi32> to vector<1xi32>
      %squeeze3A_186 = vector.extract %slice3A_185[0] : i32 from vector<1xi32>
      %eq3A_187 = arith.constant 3 : i32
      %eq3A_188 = arith.cmpi eq, %squeeze3A_186, %eq3A_187 : i32
      %select_n3A_189 = arith.select %eq3A_188, %get3A_55, %select_n3A_184 : vector<16xf32>
      %slice3A_190 = vector.extract_strided_slice %get3A_35 {offsets = [4], sizes = [1], strides = [1]} : vector<16xi32> to vector<1xi32>
      %squeeze3A_191 = vector.extract %slice3A_190[0] : i32 from vector<1xi32>
      %eq3A_192 = arith.constant 3 : i32
      %eq3A_193 = arith.cmpi eq, %squeeze3A_191, %eq3A_192 : i32
      %select_n3A_194 = arith.select %eq3A_193, %get3A_60, %select_n3A_189 : vector<16xf32>
      %swap3A_195 = arith.constant 3 : i32
      %swap3A_196 = arith.index_cast %swap3A_195 : i32 to index
      %swap3A_197 = arith.constant 0 : index
      %swap3A_198 = tpu.vector_load %arg7[%swap3A_196, %swap3A_197] {strides = array<i32>} : memref<5x16xf32, #tpu.memory_space<vmem>>, vector<1x16xf32>,
      %swap3A_199 = vector.shape_cast %swap3A_198 : vector<1x16xf32> to vector<16xf32>
      %swap3A_200 = vector.shape_cast %select_n3A_194 : vector<16xf32> to vector<1x16xf32>
      tpu.vector_store %arg7[%swap3A_196, %swap3A_197], %swap3A_200 {strides = array<i32>} : memref<5x16xf32, #tpu.memory_space<vmem>>, vector<1x16xf32>,
      %get3A_201 = arith.constant 4 : i32
      %get3A_202 = arith.index_cast %get3A_201 : i32 to index
      %get3A_203 = arith.constant 0 : index
      %get3A_204 = tpu.vector_load %arg7[%get3A_202, %get3A_203] {strides = array<i32>} : memref<5x16xf32, #tpu.memory_space<vmem>>, vector<1x16xf32>,
      %get3A_205 = vector.shape_cast %get3A_204 : vector<1x16xf32> to vector<16xf32>
      %slice3A_206 = vector.extract_strided_slice %get3A_35 {offsets = [0], sizes = [1], strides = [1]} : vector<16xi32> to vector<1xi32>
      %squeeze3A_207 = vector.extract %slice3A_206[0] : i32 from vector<1xi32>
      %eq3A_208 = arith.constant 4 : i32
      %eq3A_209 = arith.cmpi eq, %squeeze3A_207, %eq3A_208 : i32
      %select_n3A_210 = arith.select %eq3A_209, %get3A_40, %get3A_205 : vector<16xf32>
      %slice3A_211 = vector.extract_strided_slice %get3A_35 {offsets = [1], sizes = [1], strides = [1]} : vector<16xi32> to vector<1xi32>
      %squeeze3A_212 = vector.extract %slice3A_211[0] : i32 from vector<1xi32>
      %eq3A_213 = arith.constant 4 : i32
      %eq3A_214 = arith.cmpi eq, %squeeze3A_212, %eq3A_213 : i32
      %select_n3A_215 = arith.select %eq3A_214, %get3A_45, %select_n3A_210 : vector<16xf32>
      %slice3A_216 = vector.extract_strided_slice %get3A_35 {offsets = [2], sizes = [1], strides = [1]} : vector<16xi32> to vector<1xi32>
      %squeeze3A_217 = vector.extract %slice3A_216[0] : i32 from vector<1xi32>
      %eq3A_218 = arith.constant 4 : i32
      %eq3A_219 = arith.cmpi eq, %squeeze3A_217, %eq3A_218 : i32
      %select_n3A_220 = arith.select %eq3A_219, %get3A_50, %select_n3A_215 : vector<16xf32>
      %slice3A_221 = vector.extract_strided_slice %get3A_35 {offsets = [3], sizes = [1], strides = [1]} : vector<16xi32> to vector<1xi32>
      %squeeze3A_222 = vector.extract %slice3A_221[0] : i32 from vector<1xi32>
      %eq3A_223 = arith.constant 4 : i32
      %eq3A_224 = arith.cmpi eq, %squeeze3A_222, %eq3A_223 : i32
      %select_n3A_225 = arith.select %eq3A_224, %get3A_55, %select_n3A_220 : vector<16xf32>
      %slice3A_226 = vector.extract_strided_slice %get3A_35 {offsets = [4], sizes = [1], strides = [1]} : vector<16xi32> to vector<1xi32>
      %squeeze3A_227 = vector.extract %slice3A_226[0] : i32 from vector<1xi32>
      %eq3A_228 = arith.constant 4 : i32
      %eq3A_229 = arith.cmpi eq, %squeeze3A_227, %eq3A_228 : i32
      %select_n3A_230 = arith.select %eq3A_229, %get3A_60, %select_n3A_225 : vector<16xf32>
      %swap3A_231 = arith.constant 4 : i32
      %swap3A_232 = arith.index_cast %swap3A_231 : i32 to index
      %swap3A_233 = arith.constant 0 : index
      %swap3A_234 = tpu.vector_load %arg7[%swap3A_232, %swap3A_233] {strides = array<i32>} : memref<5x16xf32, #tpu.memory_space<vmem>>, vector<1x16xf32>,
      %swap3A_235 = vector.shape_cast %swap3A_234 : vector<1x16xf32> to vector<16xf32>
      %swap3A_236 = vector.shape_cast %select_n3A_230 : vector<16xf32> to vector<1x16xf32>
      tpu.vector_store %arg7[%swap3A_232, %swap3A_233], %swap3A_236 {strides = array<i32>} : memref<5x16xf32, #tpu.memory_space<vmem>>, vector<1x16xf32>,
      "tpu.region"() ({
        %run_scoped3A = tpu.sem_alloc : memref<!tpu.dma_semaphore, #tpu.memory_space<semaphore_mem>>
        %dma_start3A_237 = arith.constant 0 : i32
        %dma_start3A_238 = arith.constant 0 : i32
        %dma_start3A_239 = tpu.memref_slice %arg7[%dma_start3A_237, %dma_start3A_238] : memref<5x16xf32, #tpu.memory_space<vmem>> -> memref<5x5xf32, #tpu.memory_space<vmem>>
        %dma_start3A_240 = arith.constant 0 : i32
        %dma_start3A_241 = arith.constant 0 : i32
        %dma_start3A_242 = tpu.memref_slice %arg7[%dma_start3A_240, %dma_start3A_241] : memref<5x16xf32, #tpu.memory_space<vmem>> -> memref<5x5xf32, #tpu.memory_space<vmem>>
        tpu.enqueue_dma source(%dma_start3A_242 : memref<5x5xf32, #tpu.memory_space<vmem>>) target(%arg5 : memref<5x5xf32, #tpu.memory_space<hbm>>) target_semaphore(%run_scoped3A : memref<!tpu.dma_semaphore, #tpu.memory_space<semaphore_mem>>)
        %dma_wait3A_243 = arith.constant 0 : i32
        %dma_wait3A_244 = arith.constant 0 : i32
        %dma_wait3A_245 = tpu.memref_slice %arg7[%dma_wait3A_243, %dma_wait3A_244] : memref<5x16xf32, #tpu.memory_space<vmem>> -> memref<5x5xf32, #tpu.memory_space<vmem>>
        %dma_wait3A_246 = arith.constant 0 : i32
        %dma_wait3A_247 = arith.constant 0 : i32
        %dma_wait3A_248 = tpu.memref_slice %arg7[%dma_wait3A_246, %dma_wait3A_247] : memref<5x16xf32, #tpu.memory_space<vmem>> -> memref<5x5xf32, #tpu.memory_space<vmem>>
        tpu.wait_dma2 semaphore(%run_scoped3A : memref<!tpu.dma_semaphore, #tpu.memory_space<semaphore_mem>>) src(%dma_wait3A_248 : memref<5x5xf32, #tpu.memory_space<vmem>>) dst(%arg5 : memref<5x5xf32, #tpu.memory_space<hbm>>)
        tpu.yield
      }) : () -> ()
    } else {
    }
    return
  }
}

</mosaic_0001>

<sc_bundles>
// kernel: kernel.3.cloned.1.call-start
scs
__scs_entry_jumppad:
0x0: {  	(pc) =	sbr.rel $0x88, $3  }
0x1: {  	(tag) =	ssettag $0x0;
	lr =	simm.s32 $0x1  }
0x2: {  	[smem:$0x3F9E] =	sst lr;
	_ =	strace $0xD0000000  }
0x3: {  	_ = 	snop  }
0x4: {  	_ = 	snop  }
0x5: {  	_ = 	snop  }
0x6: {  	_ = 	snop  }
0x7: {  	_ = 	snop  }
__scs_overlays_trampoline_lowered:
0x8: {  	[smem:$0x3FAD] =	sst s0  }
0x9: {  	[smem:$0x3FAE] =	sst s1  }
0xa: {  	[smem:$0x3FAF] =	sst s2  }
0xb: {  	[smem:$0x3FB0] =	sst s3  }
0xc: {  	[smem:$0x3FB1] =	sst s4  }
0xd: {  	[smem:$0x3FB2] =	sst s5  }
0xe: {  	[smem:$0x3FB3] =	sst s6  }
0xf: {  	[smem:$0x3FB4] =	sst s7  }
0x10: {  	[smem:$0x3FB5] =	sst s8  }
0x11: {  	[smem:$0x3FB6] =	sst s9;
	s0 =	simm.s32 @!p0 $0x0  }
0x12: {  	s1 =	sld [smem:$0x3F9C];
	s0 =	simm.s32 @p0 $0x1  }
0x13: {  	[smem:$0x3FB7] =	sst s0;
	s0 =	simm.s32 @!p1 $0x0  }
0x14: {  	s2 =	sld [smem:$0x3F9B];
	s0 =	simm.s32 @p1 $0x1  }
0x15: {  	[smem:$0x3FB8] =	sst s0;
	s0 =	simm.s32 @!p2 $0x0  }
0x16: {  	s3 =	sld [smem:$0x3FDB];
	s0 =	simm.s32 @p2 $0x1  }
0x17: {  	s4 =	simm.s32 $0x1BF5;
	[smem:$0x3FBA] =	sst s0  }
0x18: {  	s0 =	sld [smem:$0x3F9D];
	_ =	swait.ge [sflag:s4], $0x0  }
0x19: {  	s7 =	sld [smem:$0x3F9E]  }
0x1a: {  	s8 =	sadd.s32 $0xFFFFE003, lr  }
0x1b: {  	s9 =	sadd.s32 $0xFFFFFEF7, lr;
	s5 =	simm.s32 $0xFFFFFFFF;
	p2 =	slt.u32 s8, $0xFFFFF086  }
0x1c: {  	p1 =	slt.u32 s9, $0xF7A;
	s5 =	simm.s32 @!p2 $0x0  }
0x1d: {  	s5 =	simm.s32 @p1 $0x1;
	p0 =	seq.s32 s7, s2  }
0x1e: {  	s7 =	smul.u32 @!p0 $0xF7A, s2;
	p2 =	seq.s32 @!p0 s5, $0x0  }
0x1f: {  	s9 =	smul.u32 $0xF7A, s1;
	s8 =	simm.s32 @!p0 $0x1BF5;
	p2 =	por !p2, p0  }
0x20: {  	[sflag:s8] =	ssyncset.s32 @!p0 $0xFFFFF086;
	s6 =	sadd.s32 @!p0 s3, s7;
	s7 =	simm.s32 @!p0 $0x108  }
0x21: {  	s3 =	sadd.s32 s3, s9;
	s6 =	sadd.s32 @!p0 $0x88, s6;
	s7 =	simm.s32 @p2 $0x1082  }
0x22: {  	[simem:s7], [sflag:s8] =	dma.local @!p0 [hbm:s6], $0xF7A  }
0x23: {  	s9 =	sor.u32 $0xD0000000, s2;
	s6 =	simm.s32 $0x108;
	_ =	swait.ge @!p0 [sflag:s8], $0x0  }
0x24: {  	s3 =	sadd.s32 $0x88, s3;
	s6 =	simm.s32 @!p1 $0x1082;
	[sflag:s4] =	ssyncset.s32 $0xFFFFF086  }
0x25: {  	[simem:s6], [sflag:s4] =	dma.local [hbm:s3], $0xF7A  }
0x26: {  	[smem:$0x3F9E] =	sst s1;
	(tag) =	ssettag s2;
	_ =	strace s9  }
0x27: {  	s1 =	sld [smem:$0x3FAE]  }
0x28: {  	s2 =	sld [smem:$0x3FAF]  }
0x29: {  	s4 =	sld [smem:$0x3FB1]  }
0x2a: {  	p0 =	seq.s32 s5, $0x0;
	s5 =	sld [smem:$0x3FB2]  }
0x2b: {  	s6 =	sld [smem:$0x3FB3]  }
0x2c: {  	s7 =	sld [smem:$0x3FB4]  }
0x2d: {  	s3 =	simm.s32 $0x108;
	s8 =	sld [smem:$0x3FB5]  }
0x2e: {  	s3 =	simm.s32 @!p0 $0x1082;
	s9 =	sld [smem:$0x3FB6]  }
0x2f: {  	lr =	sadd.s32 s0, s3;
	s0 =	sld [smem:$0x3FAD]  }
0x30: {  	s3 =	sld [smem:$0x3FB0]  }
0x31: {  	[smem:$0x3FB9] =	sst s10  }
0x32: {  	s10 =	sld [smem:$0x3FB7];
	_ =	sdelay $0x3  }
0x33: {  	p0 =	seq.s32 s10, $0x1;
	s10 =	sld [smem:$0x3FB9];
	_ =	sdelay $0x3  }
0x34: {  	[smem:$0x3FB9] =	sst s10  }
0x35: {  	s10 =	sld [smem:$0x3FB8];
	_ =	sdelay $0x3  }
0x36: {  	p1 =	seq.s32 s10, $0x1;
	s10 =	sld [smem:$0x3FB9];
	_ =	sdelay $0x3  }
0x37: {  	[smem:$0x3FB9] =	sst s10  }
0x38: {  	s10 =	sld [smem:$0x3FBA]  }
0x39: {  	_ = 	snop;
	(pc) =	sbr.ind lr, $3  }
0x3a: {  	_ = 	snop  }
0x3b: {  	_ = 	snop  }
0x3c: {  	p2 =	seq.s32 s10, $0x1;
	s10 =	sld [smem:$0x3FB9]  }
0x3d: {  	_ =	shalt  }
0x3e: {  	_ =	shalt  }
0x3f: {  	_ =	shalt  }
0x40: {  	_ =	shalt  }
0x41: {  	_ =	shalt  }
0x42: {  	_ =	shalt  }
0x43: {  	_ =	shalt  }
0x44: {  	_ =	shalt  }
0x45: {  	_ =	shalt  }
0x46: {  	_ =	shalt  }
0x47: {  	_ =	shalt  }
0x48: {  	_ =	shalt  }
0x49: {  	_ =	shalt  }
0x4a: {  	_ =	shalt  }
0x4b: {  	_ =	shalt  }
0x4c: {  	_ =	shalt  }
0x4d: {  	_ =	shalt  }
0x4e: {  	_ =	shalt  }
0x4f: {  	_ =	shalt  }
0x50: {  	_ =	shalt  }
0x51: {  	_ =	shalt  }
0x52: {  	_ =	shalt  }
0x53: {  	_ =	shalt  }
0x54: {  	_ =	shalt  }
0x55: {  	_ =	shalt  }
0x56: {  	_ =	shalt  }
0x57: {  	_ =	shalt  }
0x58: {  	_ =	shalt  }
0x59: {  	_ =	shalt  }
0x5a: {  	_ =	shalt  }
0x5b: {  	_ =	shalt  }
0x5c: {  	_ =	shalt  }
0x5d: {  	_ =	shalt  }
0x5e: {  	_ =	shalt  }
0x5f: {  	_ =	shalt  }
0x60: {  	_ =	shalt  }
0x61: {  	_ =	shalt  }
0x62: {  	_ =	shalt  }
0x63: {  	_ =	shalt  }
0x64: {  	_ =	shalt  }
0x65: {  	_ =	shalt  }
0x66: {  	_ =	shalt  }
0x67: {  	_ =	shalt  }
0x68: {  	_ =	shalt  }
0x69: {  	_ =	shalt  }
0x6a: {  	_ =	shalt  }
0x6b: {  	_ =	shalt  }
0x6c: {  	_ =	shalt  }
0x6d: {  	_ =	shalt  }
0x6e: {  	_ =	shalt  }
0x6f: {  	_ =	shalt  }
0x70: {  	_ =	shalt  }
0x71: {  	_ =	shalt  }
0x72: {  	_ =	shalt  }
0x73: {  	_ =	shalt  }
0x74: {  	_ =	shalt  }
0x75: {  	_ =	shalt  }
0x76: {  	_ =	shalt  }
0x77: {  	_ =	shalt  }
0x78: {  	_ =	shalt  }
0x79: {  	_ =	shalt  }
0x7a: {  	_ =	shalt  }
0x7b: {  	_ =	shalt  }
0x7c: {  	_ =	shalt  }
0x7d: {  	_ =	shalt  }
0x7e: {  	_ =	shalt  }
0x7f: {  	_ =	shalt  }
0x80: {  	_ =	shalt  }
0x81: {  	_ =	shalt  }
0x82: {  	_ =	shalt  }
0x83: {  	_ =	shalt  }
0x84: {  	_ =	shalt  }
0x85: {  	_ =	shalt  }
0x86: {  	_ =	shalt  }
0x87: {  	_ =	shalt  }
.Lfunc_end0:
.L_simem_size_0:
called_computation_lowered:
.L_overlay_start_0:
0x88: {  	s0 =	sld [smem:$0x3FD9]  }
0x89: {  	s1 =	sld [smem:$0x3FFE];
	_ =	sdelay $0x3  }
0x8a: {  	s0 =	sadd.s32 s1, s0  }
0x8b: {  	[smem:$0x3FC5] =	sst s0  }
0x8c: {  	_ = 	snop  }
0x8d: {  	s0 =	sld [smem:$0x3FC7]  }
0x8e: {  	s16 =	sld [smem:$0x3FD0];
	(tm) =	ssettm $0x1  }
0x8f: {  	s2 =	sld [smem:$0x3FFB];
	_ =	sdelay $0x3  }
0x90: {  	_ =	strace s2  }
0x91: {  	s2 =	sld [smem:$0x3FFC];
	_ =	sdelay $0x3  }
0x92: {  	_ =	strace s2  }
0x93: {  	s2 =	sld [smem:$0x3FFD];
	_ =	sdelay $0x3  }
0x94: {  	_ =	strace s2  }
0x95: {  	_ =	strace $0x8FFFFFFF  }
0x96: {  	s17 =	sld [smem:$0x3FDB];
	_ =	sdelay $0x1  }
0x97: {  	s3 =	simm.s32 $_scs_section_size  }
0x98: {  	s4 =	simm.s32 $_size__tile_overlayer_lowered;
	s5 =	simm.s32 $_tile_overlayer_lowered  }
0x99: {  	s20 =	simm.s32 $0x1BFF;
	s19 =	sshll.u32 s5, $0x1;
	s2 =	sadd.s32 s3, s17  }
0x9a: {  	s6 =	simm.s32 $0x0;
	s18 =	sshll.u32 s4, $0x1;
	s4 =	sadd.s32 s19, s2  }
0x9b: {  	[timem:s6], [sflag:s20] =	dma.local [hbm:s4], s18  }
0x9c: {  	_ =	swait.ge [sflag:s20], s18  }
0x9d: {  	s3 =	ssub.s32 $0x0, s18;
	[sflag:s20] =	ssyncset.done $0x0  }
0x9e: {  	[sflag:s20] =	ssyncadd.s32 s3;
	_ =	sdelay $0x1  }
0x9f: {  	s21 =	simm.s32 $0x1B8B  }
0xa0: {  	_ =	swait.ge [sflag:s21], $0x1  }
0xa1: {  	[sflag:s21] =	ssyncset.done $0x0  }
0xa2: {  	s23 =	simm.s32 $0x1B8E;
	s22 =	sld [smem:$0x3FFE];
	[sflag:s21] =	ssyncadd.s32 $0xFFFFFFFF  }
0xa3: {  	s24 =	simm.s32 $execute0_lowered;
	[smem:$0x3FD2] =	sst s23  }
0xa4: {  	s4 =	sshll.u32 s24, $0x1;
	_ =	strace $0x80000046;
	[dreg:$0x1] =	wrdreg $0xFFFFFFFF  }
0xa5: {  	s25 =	simm.s32 $_size_execute0_lowered;
	s2 =	sadd.s32 s2, s4;
	[dreg:$0x0] =	wrdreg $0x0  }
0xa6: {  	s4 =	sshll.u32 s25, $0x1;
	[dreg:$0x2] =	wrdreg s2  }
0xa7: {  	[dreg:$0x3] =	wrdreg s4  }
0xa8: {  	[dreg:$0x4] =	wrdreg $0xC0  }
0xa9: {  	_ =	task [dreg:s6], $0x5FFFF  }
0xaa: {  	[dreg:$0x1] =	wrdreg $0xFFFFFFFF  }
0xab: {  	[dreg:$0x0] =	wrdreg $0x60  }
0xac: {  	[dreg:$0x2] =	wrdreg s16  }
0xad: {  	[dreg:$0x3] =	wrdreg s22  }
0xae: {  	[dreg:$0x4] =	wrdreg s0  }
0xaf: {  	[dreg:$0x5] =	wrdreg $0x9  }
0xb0: {  	_ =	task.clear_ibuf [dreg:s6], $0x6FFFF;
	_ =	strace $0x90000046  }
0xb1: {  	s26 =	simm.s32 $0x9;
	_ =	strace $0x80000048  }
0xb2: {  	_ =	swait.ge [sflag:s26], $0x1  }
0xb3: {  	[sflag:s26] =	ssyncadd.s32 $0xFFFFFFFF  }
0xb4: {  	_ =	strace $0x90000048  }
0xb5: {  	_ =	sfence  }
0xb6: {  	s28 =	sld [smem:$0x0];
	_ =	sdelay $0x1  }
0xb7: {  	s29 =	srdreg.scid  }
0xb8: {  	s30 =	sshll.u32 s29, $0xD;
	s31 =	sshrl.u32 s29, $0x2  }
0xb9: {  	s1 =	sand.u32 $0x1, s29;
	s2 =	sand.u32 $0x4000, s30;
	s0 =	sadd.s32 s31, s28  }
0xba: {  	s1 =	sor.u32 s2, s1;
	s0 =	sshll.u32 s0, $0x11  }
0xbb: {  	s0 =	sor.u32 s0, s1  }
0xbc: {  	s0 =	sadd.s32 $0x8F2B, s0  }
0xbd: {  	[sflag:s0] =	ssyncadd.remote.s32 $0x1  }
0xbe: {  	_ =	sfence.sel $0xFFFF  }
0xbf: {  	[dreg:$0x0] =	wrdreg $0xFFFFFFFF;
	(pc) =	sbr.abs _section_cstart, $3  }
0xc0: {  	[dreg:$0x1] =	wrdreg $0xFFFFFFFF  }
0xc1: {  	_ =	task.clear_ibuf [dreg:s6], $0x2FFFF;
	_ =	strace $0x9FFFFFFF  }
0xc2: {  	(tm) =	ssettm $0x7FFFFFFF  }
0xc3: {  	_ =	shalt  }
tec
execute0_lowered:
.L_overlay_start_1:
0x0: {  	(tag) =	ssettag $0x1  }
0x1: {  	s2 =	stileid.u32  }
0x2: {  	p0 =	sne.s32 s2, $0x0  }
.Ltmp0:
0x3: {  	_ = 	snop;
	(pc) =	sbr.rel @p0 .LBB2_2-.Ltmp0, $4  }
0x4: {  	s9 =	rddreg [dreg:$0x0]  }
0x5: {  	s1 =	rddreg [dreg:$0x1]  }
0x6: {  	s8 =	rddreg [dreg:$0x2]  }
0x7: {  	s0 =	rddreg [dreg:$0x3];
	_ =	strace $0x80000047  }
0x8: {  	s7 =	sadd.s32 $0x800, s1;
	s2 =	simm.s32 $0x0;
	s3 =	simm.s32 $0x50  }
0x9: {  	[tilespmem:s3], [sflag:$0x1] =	stream.linear.gather [hbm4b:s7+s2], $0x5, $0x38;
	[tilespmem:$0xB0] =	vst v63  }
0xa: {  	s4 =	simm.s32 $0x60;
	s5 =	sadd.s32 $0x1, s7  }
0xb: {  	[tilespmem:s4], [sflag:$0x1] =	stream.linear.gather [hbm4b:s5+s2], $0x5, $0x38;
	[tilespmem:$0xB0] =	vst v63  }
0xc: {  	s6 =	sadd.s32 $0x2, s7;
	s5 =	simm.s32 $0x70  }
0xd: {  	[tilespmem:s5], [sflag:$0x1] =	stream.linear.gather [hbm4b:s6+s2], $0x5, $0x38;
	[tilespmem:$0xB0] =	vst v63  }
0xe: {  	s10 =	sadd.s32 $0x3, s7;
	s6 =	simm.s32 $0x80  }
0xf: {  	[tilespmem:s6], [sflag:$0x1] =	stream.linear.gather [hbm4b:s10+s2], $0x5, $0x38;
	[tilespmem:$0xB0] =	vst v63  }
0x10: {  	s31 =	simm.s32 $0x90;
	s30 =	sadd.s32 $0x4, s7  }
0x11: {  	[tilespmem:s31], [sflag:$0x1] =	stream.linear.gather [hbm4b:s30+s2], $0x5, $0x38;
	[tilespmem:$0xB0] =	vst v63  }
0x12: {  	_ = 	snop  }
0x13: {  	[tilespmem:s2], [sflag:$0x1] =	stream.linear.gather [hbm4b:s9+s2], $0x5, $0x38;
	[tilespmem:$0xB0] =	vst v63  }
0x14: {  	s12 =	sadd.s32 $0x1, s9;
	s11 =	simm.s32 $0x10  }
0x15: {  	[tilespmem:s11], [sflag:$0x1] =	stream.linear.gather [hbm4b:s12+s2], $0x5, $0x38;
	[tilespmem:$0xB0] =	vst v63  }
0x16: {  	s13 =	sadd.s32 $0x2, s9;
	s14 =	simm.s32 $0x20  }
0x17: {  	[tilespmem:s14], [sflag:$0x1] =	stream.linear.gather [hbm4b:s13+s2], $0x5, $0x38;
	[tilespmem:$0xB0] =	vst v63  }
0x18: {  	s15 =	sadd.s32 $0x3, s9;
	s16 =	simm.s32 $0x30  }
0x19: {  	[tilespmem:s16], [sflag:$0x1] =	stream.linear.gather [hbm4b:s15+s2], $0x5, $0x38;
	[tilespmem:$0xB0] =	vst v63  }
0x1a: {  	s17 =	sadd.s32 $0x4, s9;
	s18 =	simm.s32 $0x40  }
0x1b: {  	[tilespmem:s18], [sflag:$0x1] =	stream.linear.gather [hbm4b:s17+s2], $0x5, $0x38;
	[tilespmem:$0xB0] =	vst v63  }
0x1c: {  	s19 =	simm.s32 $0xA0;
	s20 =	simm.s32 $0x1  }
0x1d: {  	[tilespmem:s19], [sflag:$0x1] =	stream.linear.gather [hbm4b:s8+s2], $0x5, $0x38;
	[tilespmem:$0xB0] =	vst v63  }
0x1e: {  	_ =	swait.ge [sflag:s20], $0x19  }
0x1f: {  	[sflag:s20] =	ssyncset.done $0x0  }
0x20: {  	[sflag:s20] =	ssyncadd.s32 $0xFFFFFFE7  }
0x21: {  	_ =	swait.ge [sflag:s20], $0x19  }
0x22: {  	[sflag:s20] =	ssyncset.done $0x0  }
0x23: {  	[sflag:s20] =	ssyncadd.s32 $0xFFFFFFE7  }
0x24: {  	_ =	swait.ge [sflag:s20], $0x5  }
0x25: {  	[sflag:s20] =	ssyncset.done $0x0  }
0x26: {  	[sflag:s20] =	ssyncadd.s32 $0xFFFFFFFB  }
0x27: {  	v0 =	vld [tilespmem:$0xA0];
	_ =	sdelay $0x4  }
0x28: {  	(v2sf) =	vpush v0, $0x0  }
0x29: {  	(v2sf) =	vpush v0, $0x1  }
0x2a: {  	(v2sf) =	vpush v0, $0x2;
	_ =	sdelay $0x1  }
0x2b: {  	(v2sf) =	vpush v0, $0x3;
	_ =	sdelay $0x1  }
0x2c: {  	(v2sf) =	vpush v0, $0x4;
	_ =	sdelay $0x2  }
0x2d: {  	v56 =	vld [tilespmem:$0x0]  }
0x2e: {  	v1 =	vld [tilespmem:$0x10]  }
0x2f: {  	v2 =	vld [tilespmem:$0x20]  }
0x30: {  	v3 =	vld [tilespmem:$0x50]  }
0x31: {  	v4 =	vld [tilespmem:$0x60]  }
0x32: {  	v5 =	vld [tilespmem:$0x70]  }
0x33: {  	v7 =	vld [tilespmem:$0x90];
	s21 =	spop (v2sf)  }
0x34: {  	v6 =	vld [tilespmem:$0x80];
	s22 =	spop (v2sf);
	p1 =	seq.s32 s21, $0x0  }
0x35: {  	v8 =	vld [tilespmem:$0x30];
	p3 =	seq.s32 s21, $0x1;
	p6 =	seq.s32 s21, $0x2;
	s23 =	spop (v2sf)  }
0x36: {  	v9 =	vld [tilespmem:$0x40];
	v3 =	vpsel p1, v56, v3;
	p4 =	seq.s32 s22, $0x0;
	v4 =	vpsel p3, v56, v4;
	p5 =	seq.s32 s22, $0x1;
	p3 =	seq.s32 s22, $0x3  }
0x37: {  	v5 =	vpsel p6, v56, v5;
	p6 =	seq.s32 s21, $0x4;
	s24 =	spop (v2sf);
	v3 =	vpsel p4, v1, v3;
	p2 =	seq.s32 s23, $0x0  }
0x38: {  	p4 =	seq.s32 s21, $0x3;
	v4 =	vpsel p5, v1, v4;
	p5 =	seq.s32 s22, $0x2;
	v0 =	vpsel p6, v56, v7;
	p6 =	seq.s32 s22, $0x4;
	v3 =	vpsel p2, v2, v3  }
0x39: {  	p1 =	seq.s32 s24, $0x0;
	v6 =	vpsel p4, v56, v6;
	s25 =	spop (v2sf);
	v5 =	vpsel p5, v1, v5;
	p5 =	seq.s32 s23, $0x1;
	v0 =	vpsel p6, v1, v0  }
0x3a: {  	p6 =	seq.s32 s23, $0x2;
	v6 =	vpsel p3, v1, v6;
	v57 =	vpsel p1, v8, v3;
	p4 =	seq.s32 s25, $0x0;
	v58 =	vpsel p5, v2, v4;
	p5 =	seq.s32 s24, $0x1  }
0x3b: {  	v59 =	vpsel p6, v2, v5;
	p6 =	seq.s32 s23, $0x3;
	v1 =	vpsel p4, v9, v57;
	v3 =	vpsel p5, v8, v58;
	p4 =	seq.s32 s25, $0x1;
	p5 =	seq.s32 s24, $0x2  }
0x3c: {  	v62 =	vpsel p6, v2, v6;
	p6 =	seq.s32 s23, $0x4;
	[tilespmem:$0x50] =	vst v1;
	v60 =	vpsel p4, v9, v3;
	v61 =	vpsel p5, v8, v59;
	p4 =	seq.s32 s25, $0x2;
	p5 =	seq.s32 s24, $0x3  }
0x3d: {  	v0 =	vpsel p6, v2, v0;
	v3 =	vpsel p4, v9, v61;
	[tilespmem:$0x60] =	vst v60;
	v63 =	vpsel p5, v8, v62;
	p4 =	seq.s32 s25, $0x3;
	p5 =	seq.s32 s24, $0x4  }
0x3e: {  	p6 =	seq.s32 s25, $0x4;
	v1 =	vpsel p4, v9, v63;
	[tilespmem:$0x70] =	vst v3;
	v0 =	vpsel p5, v8, v0  }
0x3f: {  	[tilespmem:$0x80] =	vst v1;
	v0 =	vpsel p6, v9, v0  }
0x40: {  	s26 =	sadd.s32 $0xA00, s1;
	[tilespmem:$0x90] =	vst v0  }
0x41: {  	[hbm4b:s26+s2] =	stream.linear.scatter [tilespmem:s3], [sflag:$0x2], $0x5, $0x38;
	[tilespmem:$0xB0] =	vst v63  }
0x42: {  	s28 =	sadd.s32 $0x1, s26  }
0x43: {  	[hbm4b:s28+s2] =	stream.linear.scatter [tilespmem:s4], [sflag:$0x2], $0x5, $0x38;
	[tilespmem:$0xB0] =	vst v63  }
0x44: {  	s29 =	sadd.s32 $0x2, s26  }
0x45: {  	[hbm4b:s29+s2] =	stream.linear.scatter [tilespmem:s5], [sflag:$0x2], $0x5, $0x38;
	[tilespmem:$0xB0] =	vst v63  }
0x46: {  	s30 =	sadd.s32 $0x3, s26  }
0x47: {  	[hbm4b:s30+s2] =	stream.linear.scatter [tilespmem:s6], [sflag:$0x2], $0x5, $0x38;
	[tilespmem:$0xB0] =	vst v63  }
0x48: {  	s1 =	sadd.s32 $0x4, s26  }
0x49: {  	[hbm4b:s1+s2] =	stream.linear.scatter [tilespmem:s31], [sflag:$0x2], $0x5, $0x38;
	[tilespmem:$0xB0] =	vst v63  }
0x4a: {  	s31 =	simm.s32 $0x2  }
0x4b: {  	_ =	swait.ge [sflag:s31], $0x19  }
0x4c: {  	[sflag:s31] =	ssyncset.done $0x0  }
0x4d: {  	[sflag:s31] =	ssyncadd.s32 $0xFFFFFFE7  }
.LBB2_2:
0x4e: {  	_ =	sfence.sel $0x180000  }
0x4f: {  	[bflag:$0x0] =	sbarrier.arrive $0xFFFF  }
0x50: {  	_ =	strace $0x90000047  }
0x51: {  	s0 =	sadd.s32 @!p0 $0x100000, s0;
	[bflag:$0x2] =	sbarrier.arrive $0xFFFF  }
0x52: {  	[sflag:s0] =	ssyncadd.tile.s32 @!p0 $0x1;
	_ =	shalt  }
.Lfunc_end2:
_tile_overlayer_lowered:
.L_overlay_start_2:
0x53: {  	(tag) =	ssettag $0x2  }
0x54: {  	s0 =	rddreg [dreg:$0x0];
	s2 =	stileid.u32  }
0x55: {  	s1 =	rddreg [dreg:$0x1];
	p0 =	sne.s32 s2, $0x0  }
0x56: {  	s3 =	rddreg [dreg:$0x2];
	[bflag:$0x3] =	sbarrier.arrive $0xFFFF;
	s2 =	simm.s32 @!p0 $0x1C02  }
0x57: {  	[timem:s3], [sflag:s2] =	dma.local @!p0 [hbm:s0], s1  }
0x58: {  	s0 =	simm.s32 @!p0 $0x2  }
0x59: {  	_ =	swait.ge @!p0 [sflag:s0], s1  }
0x5a: {  	s1 =	ssub.s32 @!p0 $0x0, s1;
	[sflag:s0] =	ssyncset.done @!p0 $0x0  }
0x5b: {  	[sflag:s0] =	ssyncadd.s32 @!p0 s1  }
0x5c: {  	[bflag:$0x3] =	sbarrier.arrive $0xFFFF  }
0x5d: {  	_ =	shalt  }

</sc_bundles>
